<compile_context>
chip_gen: v7x
topology: tpu7x:2x2x1
jax: 0.10.2.dev20260603
libtpu: 0.0.44.dev20260713+nightly
codegen_flags: <defaults>
</compile_context>

<pallas_src>
import functools

import jax
import jax.numpy as jnp
from jax import lax
from jax.experimental import pallas as pl
from jax.experimental.pallas import tpu as pltpu
from jax.experimental.pallas import tpu_sc as plsc

_LANES = 16
_UNROLL = 8
_TC_BATCHES = 52


def _add_body(patch_ref, pos_ref, out_ref):
    out_ref[...] = patch_ref[...] + pos_ref[...]


def _tc_part(patch, pos_table, nb):
    B, P, D = patch.shape
    return pl.pallas_call(
        _add_body,
        grid=(nb,),
        in_specs=[
            pl.BlockSpec((1, P, D), lambda b: (b, 0, 0)),
            pl.BlockSpec((P, D), lambda b: (0, 0)),
        ],
        out_specs=pl.BlockSpec((1, P, D), lambda b: (b, 0, 0)),
        out_shape=jax.ShapeDtypeStruct((nb, P, D), patch.dtype),
    )(patch, pos_table)


def _sc_part(patch_flat, pos_flat, B, P, D, b_lo, b_hi):
    info = plsc.get_sparse_core_info()
    NW = info.num_cores * info.num_subcores
    rows_w = P // NW
    chunk = rows_w * D
    nb = b_hi - b_lo

    mesh = plsc.VectorSubcoreMesh(core_axis_name="c", subcore_axis_name="s")

    @functools.partial(
        pl.kernel,
        mesh=mesh,
        out_type=jax.ShapeDtypeStruct((nb * P * D,), jnp.float32),
        scratch_types=[
            pltpu.VMEM((chunk,), jnp.float32),
            pltpu.VMEM((chunk,), jnp.float32),
            pltpu.VMEM((chunk,), jnp.float32),
            pltpu.VMEM((chunk,), jnp.float32),
            pltpu.VMEM((chunk,), jnp.float32),
            pltpu.SemaphoreType.DMA,
            pltpu.SemaphoreType.DMA,
            pltpu.SemaphoreType.DMA,
            pltpu.SemaphoreType.DMA,
            pltpu.SemaphoreType.DMA,
            pltpu.SemaphoreType.DMA,
            pltpu.SemaphoreType.DMA,
            pltpu.SemaphoreType.DMA,
        ],
    )
    def sc_add(patch_hbm, pos_hbm, out_hbm, pos_v, buf0, buf1, buf2, buf3,
               isem0, isem1, isem2, isem3, osem0, osem1, osem2, osem3):
        wid = lax.axis_index("s") * info.num_cores + lax.axis_index("c")
        pos_base = wid * chunk
        pltpu.sync_copy(pos_hbm.at[pl.ds(pos_base, chunk)], pos_v)

        bufs = (buf0, buf1, buf2, buf3)
        isems = (isem0, isem1, isem2, isem3)
        osems = (osem0, osem1, osem2, osem3)
        NS = 4

        def start_in(j, s):
            pltpu.async_copy(
                patch_hbm.at[pl.ds((b_lo + j) * (P * D) + pos_base, chunk)],
                bufs[s], isems[s])

        def wait_in(j, s):
            pltpu.make_async_copy(
                patch_hbm.at[pl.ds((b_lo + j) * (P * D) + pos_base, chunk)],
                bufs[s], isems[s]).wait()

        def start_out(j, s):
            pltpu.async_copy(
                bufs[s],
                out_hbm.at[pl.ds(j * (P * D) + pos_base, chunk)], osems[s])

        def wait_out(j, s):
            pltpu.make_async_copy(
                bufs[s],
                out_hbm.at[pl.ds(j * (P * D) + pos_base, chunk)], osems[s]).wait()

        def add_pos(s):
            buf = bufs[s]

            @plsc.parallel_loop(0, chunk // _LANES, unroll=_UNROLL)
            def _(i):
                sl = pl.ds(i * _LANES, _LANES)
                plsc.addupdate(buf.at[sl], pos_v[sl])

        start_in(0, 0)
        start_in(1, 1)

        def ring_body(k, carry):
            for s in range(NS):
                j = NS * k + s
                wait_in(j, s)
                add_pos(s)
                start_out(j, s)
                s2 = (s + 2) % NS

                @pl.when(j >= 2)
                def _():
                    wait_out(j - 2, s2)

                @pl.when(j + 2 < nb)
                def _():
                    start_in(j + 2, s2)
            return carry

        lax.fori_loop(0, nb // NS, ring_body, 0)
        wait_out(nb - 2, (nb - 2) % NS)
        wait_out(nb - 1, (nb - 1) % NS)

    return sc_add(patch_flat, pos_flat)


def kernel(patch, pos_table):
    B, P, D = patch.shape
    nb_tc = _TC_BATCHES
    sc_out = _sc_part(patch.reshape(-1), pos_table.reshape(-1),
                      B, P, D, nb_tc, B)
    tc_out = _tc_part(patch, pos_table, nb_tc)
    return jnp.concatenate(
        [tc_out, sc_out.reshape(B - nb_tc, P, D)], axis=0)

# --- scband reference (transcript-rebuilt; emitter-appended) ---
"""Pipeline reference for scband-patch-encoder-87969520157104 (READ-ONLY COPY).

The authoritative reference and input builder live on the scoring server;
editing this copy changes nothing except your own understanding.
"""

import jax, jax.numpy as jnp
import numpy as np

NUM_PATCHES = 1024
PROJ_DIM = 768
BATCH = 64

def setup_inputs(seed: int = 0) -> dict:
    key = jax.random.key(seed)
    k1, k2 = jax.random.split(key)
    patch = jax.random.normal(k1, (BATCH, NUM_PATCHES, PROJ_DIM), dtype=jnp.float32)
    # Embedding table: layers.Embedding(input_dim=num_patches, output_dim=projection_dim)
    pos_table = jax.random.uniform(k2, (NUM_PATCHES, PROJ_DIM), dtype=jnp.float32, minval=-0.05, maxval=0.05)
    return {"patch": patch, "pos_table": pos_table}

def reference(patch, pos_table):
    # positions = tf.range(0, num_patches)
    positions = jnp.arange(NUM_PATCHES)
    # embedding lookup (gather) over the position table
    pos_emb = jnp.take(pos_table, positions, axis=0)  # [num_patches, proj_dim]
    # broadcast-add over batch dim
    return patch + pos_emb[None, :, :]

if __name__ == "__main__":
    import jax
    _d = setup_inputs()
    print(jax.jit(kernel)(*tuple(_d.values())))

</pallas_src>

<mosaic_0001>
#map = affine_map<(d0, d1) -> (0)>
module attributes {stable_mosaic.version = 14 : i64} {
  func.func @sc_add(%arg0: i32, %arg1: i32, %arg2: memref<50331648xf32, #tpu.memory_space<hbm>>, %arg3: memref<786432xf32, #tpu.memory_space<hbm>>, %arg4: memref<9437184xf32, #tpu.memory_space<hbm>>, %arg5: memref<24576xf32, #tpu.memory_space<vmem>>, %arg6: memref<24576xf32, #tpu.memory_space<vmem>>, %arg7: memref<24576xf32, #tpu.memory_space<vmem>>, %arg8: memref<24576xf32, #tpu.memory_space<vmem>>, %arg9: memref<24576xf32, #tpu.memory_space<vmem>>, %arg10: memref<!tpu.dma_semaphore, #tpu.memory_space<semaphore_mem>>, %arg11: memref<!tpu.dma_semaphore, #tpu.memory_space<semaphore_mem>>, %arg12: memref<!tpu.dma_semaphore, #tpu.memory_space<semaphore_mem>>, %arg13: memref<!tpu.dma_semaphore, #tpu.memory_space<semaphore_mem>>, %arg14: memref<!tpu.dma_semaphore, #tpu.memory_space<semaphore_mem>>, %arg15: memref<!tpu.dma_semaphore, #tpu.memory_space<semaphore_mem>>, %arg16: memref<!tpu.dma_semaphore, #tpu.memory_space<semaphore_mem>>, %arg17: memref<!tpu.dma_semaphore, #tpu.memory_space<semaphore_mem>>) attributes {dimension_semantics = [#tpu.dimension_semantics<core_parallel>, #tpu.dimension_semantics<subcore_parallel>], iteration_bounds = array<i64: 2, 16>, scalar_prefetch = 0 : i64, scratch_operands = 13 : i64, tpu.core_type = #tpu.core_type<sc_vector_subcore>, window_params = [{transform_indices = #map}, {transform_indices = #map}, {transform_indices = #map}]} {
    %mul3A = arith.constant 2 : i32
    %mul3A_0 = arith.muli %arg1, %mul3A : i32
    %add3A = arith.addi %mul3A_0, %arg0 : i32
    %mul3A_1 = arith.constant 24576 : i32
    %mul3A_2 = arith.muli %add3A, %mul3A_1 : i32
    "tpu.region"() ({
      %run_scoped3A = tpu.sem_alloc : memref<!tpu.dma_semaphore, #tpu.memory_space<semaphore_mem>>
      %dma_start3A_22 = tpu.memref_slice %arg3[%mul3A_2] : memref<786432xf32, #tpu.memory_space<hbm>> -> memref<24576xf32, #tpu.memory_space<hbm>>
      %dma_start3A_23 = tpu.memref_slice %arg3[%mul3A_2] : memref<786432xf32, #tpu.memory_space<hbm>> -> memref<24576xf32, #tpu.memory_space<hbm>>
      tpu.enqueue_dma source(%dma_start3A_23 : memref<24576xf32, #tpu.memory_space<hbm>>) target(%arg5 : memref<24576xf32, #tpu.memory_space<vmem>>) target_semaphore(%run_scoped3A : memref<!tpu.dma_semaphore, #tpu.memory_space<semaphore_mem>>)
      %dma_wait3A_24 = tpu.memref_slice %arg3[%mul3A_2] : memref<786432xf32, #tpu.memory_space<hbm>> -> memref<24576xf32, #tpu.memory_space<hbm>>
      %dma_wait3A_25 = tpu.memref_slice %arg3[%mul3A_2] : memref<786432xf32, #tpu.memory_space<hbm>> -> memref<24576xf32, #tpu.memory_space<hbm>>
      tpu.wait_dma2 semaphore(%run_scoped3A : memref<!tpu.dma_semaphore, #tpu.memory_space<semaphore_mem>>) src(%dma_wait3A_25 : memref<24576xf32, #tpu.memory_space<hbm>>) dst(%arg5 : memref<24576xf32, #tpu.memory_space<vmem>>)
      tpu.yield
    }) : () -> ()
    %add3A_3 = arith.constant 40894464 : i32
    %add3A_4 = arith.addi %add3A_3, %mul3A_2 : i32
    %dma_start3A = tpu.memref_slice %arg2[%add3A_4] : memref<50331648xf32, #tpu.memory_space<hbm>> -> memref<24576xf32, #tpu.memory_space<hbm>>
    %dma_start3A_5 = tpu.memref_slice %arg2[%add3A_4] : memref<50331648xf32, #tpu.memory_space<hbm>> -> memref<24576xf32, #tpu.memory_space<hbm>>
    tpu.enqueue_dma source(%dma_start3A_5 : memref<24576xf32, #tpu.memory_space<hbm>>) target(%arg6 : memref<24576xf32, #tpu.memory_space<vmem>>) target_semaphore(%arg10 : memref<!tpu.dma_semaphore, #tpu.memory_space<semaphore_mem>>)
    %add3A_6 = arith.constant 41680896 : i32
    %add3A_7 = arith.addi %add3A_6, %mul3A_2 : i32
    %dma_start3A_8 = tpu.memref_slice %arg2[%add3A_7] : memref<50331648xf32, #tpu.memory_space<hbm>> -> memref<24576xf32, #tpu.memory_space<hbm>>
    %dma_start3A_9 = tpu.memref_slice %arg2[%add3A_7] : memref<50331648xf32, #tpu.memory_space<hbm>> -> memref<24576xf32, #tpu.memory_space<hbm>>
    tpu.enqueue_dma source(%dma_start3A_9 : memref<24576xf32, #tpu.memory_space<hbm>>) target(%arg7 : memref<24576xf32, #tpu.memory_space<vmem>>) target_semaphore(%arg11 : memref<!tpu.dma_semaphore, #tpu.memory_space<semaphore_mem>>)
    %scan3A = arith.constant 0 : i32
    %scan3A_10 = arith.constant 0 : i32
    %scan3A_11 = arith.constant 3 : i32
    %scan3A_12 = arith.addi %scan3A_10, %scan3A_11 : i32
    %scan3A_13 = arith.constant 1 : i32
    scf.for %scan3A_22 = %scan3A_10 to %scan3A_12 step %scan3A_13  : i32 {
      %mul3A_23 = arith.constant 4 : i32
      %mul3A_24 = arith.muli %mul3A_23, %scan3A_22 : i32
      %add3A_25 = arith.constant 0 : i32
      %add3A_26 = arith.addi %mul3A_24, %add3A_25 : i32
      %add3A_27 = arith.constant 52 : i32
      %add3A_28 = arith.addi %add3A_27, %add3A_26 : i32
      %mul3A_29 = arith.constant 786432 : i32
      %mul3A_30 = arith.muli %add3A_28, %mul3A_29 : i32
      %add3A_31 = arith.addi %mul3A_30, %mul3A_2 : i32
      %dma_wait3A_32 = tpu.memref_slice %arg2[%add3A_31] : memref<50331648xf32, #tpu.memory_space<hbm>> -> memref<24576xf32, #tpu.memory_space<hbm>>
      %dma_wait3A_33 = tpu.memref_slice %arg2[%add3A_31] : memref<50331648xf32, #tpu.memory_space<hbm>> -> memref<24576xf32, #tpu.memory_space<hbm>>
      tpu.wait_dma2 semaphore(%arg10 : memref<!tpu.dma_semaphore, #tpu.memory_space<semaphore_mem>>) src(%dma_wait3A_33 : memref<24576xf32, #tpu.memory_space<hbm>>) dst(%arg6 : memref<24576xf32, #tpu.memory_space<vmem>>)
      %parallel_loop3A = arith.constant 0 : i32
      %parallel_loop3A_34 = arith.constant 1536 : i32
      %parallel_loop3A_35 = arith.constant 1 : i32
      scf.for %parallel_loop3A_142 = %parallel_loop3A to %parallel_loop3A_34 step %parallel_loop3A_35  : i32 {
        %parallel_loop3A_143 = arith.constant 16 : i32
        %parallel_loop3A_144 = arith.muli %parallel_loop3A_142, %parallel_loop3A_143 : i32
        %parallel_loop3A_145 = arith.index_cast %parallel_loop3A_144 : i32 to index
        %parallel_loop3A_146 = tpu.vector_load %arg5[%parallel_loop3A_145] {strides = array<i32>} : memref<24576xf32, #tpu.memory_space<vmem>>, vector<16xf32>,
        %parallel_loop3A_147 = vector.shape_cast %parallel_loop3A_146 : vector<16xf32> to vector<16xf32>
        %parallel_loop3A_148 = arith.index_cast %parallel_loop3A_144 : i32 to index
        %parallel_loop3A_149 = tpu.vector_load %arg6[%parallel_loop3A_148] {strides = array<i32>} : memref<24576xf32, #tpu.memory_space<vmem>>, vector<16xf32>,
        %parallel_loop3A_150 = vector.shape_cast %parallel_loop3A_149 : vector<16xf32> to vector<16xf32>
        %parallel_loop3A_151 = vector.shape_cast %parallel_loop3A_147 : vector<16xf32> to vector<16xf32>
        tpu.vector_store %arg6[%parallel_loop3A_148], %parallel_loop3A_151 {add = true, strides = array<i32>} : memref<24576xf32, #tpu.memory_space<vmem>>, vector<16xf32>,
      } {sc.loop_unroll_factor = 8 : i64, sc.parallel_access}
      %mul3A_36 = arith.constant 786432 : i32
      %mul3A_37 = arith.muli %add3A_26, %mul3A_36 : i32
      %add3A_38 = arith.addi %mul3A_37, %mul3A_2 : i32
      %dma_start3A_39 = tpu.memref_slice %arg4[%add3A_38] : memref<9437184xf32, #tpu.memory_space<hbm>> -> memref<24576xf32, #tpu.memory_space<hbm>>
      %dma_start3A_40 = tpu.memref_slice %arg4[%add3A_38] : memref<9437184xf32, #tpu.memory_space<hbm>> -> memref<24576xf32, #tpu.memory_space<hbm>>
      tpu.enqueue_dma source(%arg6 : memref<24576xf32, #tpu.memory_space<vmem>>) target(%dma_start3A_40 : memref<24576xf32, #tpu.memory_space<hbm>>) target_semaphore(%arg14 : memref<!tpu.dma_semaphore, #tpu.memory_space<semaphore_mem>>)
      %ge3A = arith.constant 2 : i32
      %ge3A_41 = arith.cmpi sge, %add3A_26, %ge3A : i32
      %convert_element_type3A = arith.extui %ge3A_41 : i1 to i32
      %cond3A = arith.constant 0 : i32
      %cond3A_42 = arith.cmpi ne, %convert_element_type3A, %cond3A : i32
      scf.if %cond3A_42 {
        %sub3A = arith.constant 2 : i32
        %sub3A_142 = arith.subi %add3A_26, %sub3A : i32
        %mul3A_143 = arith.constant 786432 : i32
        %mul3A_144 = arith.muli %sub3A_142, %mul3A_143 : i32
        %add3A_145 = arith.addi %mul3A_144, %mul3A_2 : i32
        %dma_wait3A_146 = tpu.memref_slice %arg4[%add3A_145] : memref<9437184xf32, #tpu.memory_space<hbm>> -> memref<24576xf32, #tpu.memory_space<hbm>>
        %dma_wait3A_147 = tpu.memref_slice %arg4[%add3A_145] : memref<9437184xf32, #tpu.memory_space<hbm>> -> memref<24576xf32, #tpu.memory_space<hbm>>
        tpu.wait_dma2 semaphore(%arg16 : memref<!tpu.dma_semaphore, #tpu.memory_space<semaphore_mem>>) src(%arg8 : memref<24576xf32, #tpu.memory_space<vmem>>) dst(%dma_wait3A_147 : memref<24576xf32, #tpu.memory_space<hbm>>)
      } else {
      }
      %add3A_43 = arith.constant 2 : i32
      %add3A_44 = arith.addi %add3A_26, %add3A_43 : i32
      %lt3A = arith.constant 12 : i32
      %lt3A_45 = arith.cmpi slt, %add3A_44, %lt3A : i32
      %convert_element_type3A_46 = arith.extui %lt3A_45 : i1 to i32
      %cond3A_47 = arith.constant 0 : i32
      %cond3A_48 = arith.cmpi ne, %convert_element_type3A_46, %cond3A_47 : i32
      scf.if %cond3A_48 {
        %add3A_142 = arith.constant 2 : i32
        %add3A_143 = arith.addi %add3A_26, %add3A_142 : i32
        %add3A_144 = arith.constant 52 : i32
        %add3A_145 = arith.addi %add3A_144, %add3A_143 : i32
        %mul3A_146 = arith.constant 786432 : i32
        %mul3A_147 = arith.muli %add3A_145, %mul3A_146 : i32
        %add3A_148 = arith.addi %mul3A_147, %mul3A_2 : i32
        %dma_start3A_149 = tpu.memref_slice %arg2[%add3A_148] : memref<50331648xf32, #tpu.memory_space<hbm>> -> memref<24576xf32, #tpu.memory_space<hbm>>
        %dma_start3A_150 = tpu.memref_slice %arg2[%add3A_148] : memref<50331648xf32, #tpu.memory_space<hbm>> -> memref<24576xf32, #tpu.memory_space<hbm>>
        tpu.enqueue_dma source(%dma_start3A_150 : memref<24576xf32, #tpu.memory_space<hbm>>) target(%arg8 : memref<24576xf32, #tpu.memory_space<vmem>>) target_semaphore(%arg12 : memref<!tpu.dma_semaphore, #tpu.memory_space<semaphore_mem>>)
      } else {
      }
      %mul3A_49 = arith.constant 4 : i32
      %mul3A_50 = arith.muli %mul3A_49, %scan3A_22 : i32
      %add3A_51 = arith.constant 1 : i32
      %add3A_52 = arith.addi %mul3A_50, %add3A_51 : i32
      %add3A_53 = arith.constant 52 : i32
      %add3A_54 = arith.addi %add3A_53, %add3A_52 : i32
      %mul3A_55 = arith.constant 786432 : i32
      %mul3A_56 = arith.muli %add3A_54, %mul3A_55 : i32
      %add3A_57 = arith.addi %mul3A_56, %mul3A_2 : i32
      %dma_wait3A_58 = tpu.memref_slice %arg2[%add3A_57] : memref<50331648xf32, #tpu.memory_space<hbm>> -> memref<24576xf32, #tpu.memory_space<hbm>>
      %dma_wait3A_59 = tpu.memref_slice %arg2[%add3A_57] : memref<50331648xf32, #tpu.memory_space<hbm>> -> memref<24576xf32, #tpu.memory_space<hbm>>
      tpu.wait_dma2 semaphore(%arg11 : memref<!tpu.dma_semaphore, #tpu.memory_space<semaphore_mem>>) src(%dma_wait3A_59 : memref<24576xf32, #tpu.memory_space<hbm>>) dst(%arg7 : memref<24576xf32, #tpu.memory_space<vmem>>)
      %parallel_loop3A_60 = arith.constant 0 : i32
      %parallel_loop3A_61 = arith.constant 1536 : i32
      %parallel_loop3A_62 = arith.constant 1 : i32
      scf.for %parallel_loop3A_142 = %parallel_loop3A_60 to %parallel_loop3A_61 step %parallel_loop3A_62  : i32 {
        %parallel_loop3A_143 = arith.constant 16 : i32
        %parallel_loop3A_144 = arith.muli %parallel_loop3A_142, %parallel_loop3A_143 : i32
        %parallel_loop3A_145 = arith.index_cast %parallel_loop3A_144 : i32 to index
        %parallel_loop3A_146 = tpu.vector_load %arg5[%parallel_loop3A_145] {strides = array<i32>} : memref<24576xf32, #tpu.memory_space<vmem>>, vector<16xf32>,
        %parallel_loop3A_147 = vector.shape_cast %parallel_loop3A_146 : vector<16xf32> to vector<16xf32>
        %parallel_loop3A_148 = arith.index_cast %parallel_loop3A_144 : i32 to index
        %parallel_loop3A_149 = tpu.vector_load %arg7[%parallel_loop3A_148] {strides = array<i32>} : memref<24576xf32, #tpu.memory_space<vmem>>, vector<16xf32>,
        %parallel_loop3A_150 = vector.shape_cast %parallel_loop3A_149 : vector<16xf32> to vector<16xf32>
        %parallel_loop3A_151 = vector.shape_cast %parallel_loop3A_147 : vector<16xf32> to vector<16xf32>
        tpu.vector_store %arg7[%parallel_loop3A_148], %parallel_loop3A_151 {add = true, strides = array<i32>} : memref<24576xf32, #tpu.memory_space<vmem>>, vector<16xf32>,
      } {sc.loop_unroll_factor = 8 : i64, sc.parallel_access}
      %mul3A_63 = arith.constant 786432 : i32
      %mul3A_64 = arith.muli %add3A_52, %mul3A_63 : i32
      %add3A_65 = arith.addi %mul3A_64, %mul3A_2 : i32
      %dma_start3A_66 = tpu.memref_slice %arg4[%add3A_65] : memref<9437184xf32, #tpu.memory_space<hbm>> -> memref<24576xf32, #tpu.memory_space<hbm>>
      %dma_start3A_67 = tpu.memref_slice %arg4[%add3A_65] : memref<9437184xf32, #tpu.memory_space<hbm>> -> memref<24576xf32, #tpu.memory_space<hbm>>
      tpu.enqueue_dma source(%arg7 : memref<24576xf32, #tpu.memory_space<vmem>>) target(%dma_start3A_67 : memref<24576xf32, #tpu.memory_space<hbm>>) target_semaphore(%arg15 : memref<!tpu.dma_semaphore, #tpu.memory_space<semaphore_mem>>)
      %ge3A_68 = arith.constant 2 : i32
      %ge3A_69 = arith.cmpi sge, %add3A_52, %ge3A_68 : i32
      %convert_element_type3A_70 = arith.extui %ge3A_69 : i1 to i32
      %cond3A_71 = arith.constant 0 : i32
      %cond3A_72 = arith.cmpi ne, %convert_element_type3A_70, %cond3A_71 : i32
      scf.if %cond3A_72 {
        %sub3A = arith.constant 2 : i32
        %sub3A_142 = arith.subi %add3A_52, %sub3A : i32
        %mul3A_143 = arith.constant 786432 : i32
        %mul3A_144 = arith.muli %sub3A_142, %mul3A_143 : i32
        %add3A_145 = arith.addi %mul3A_144, %mul3A_2 : i32
        %dma_wait3A_146 = tpu.memref_slice %arg4[%add3A_145] : memref<9437184xf32, #tpu.memory_space<hbm>> -> memref<24576xf32, #tpu.memory_space<hbm>>
        %dma_wait3A_147 = tpu.memref_slice %arg4[%add3A_145] : memref<9437184xf32, #tpu.memory_space<hbm>> -> memref<24576xf32, #tpu.memory_space<hbm>>
        tpu.wait_dma2 semaphore(%arg17 : memref<!tpu.dma_semaphore, #tpu.memory_space<semaphore_mem>>) src(%arg9 : memref<24576xf32, #tpu.memory_space<vmem>>) dst(%dma_wait3A_147 : memref<24576xf32, #tpu.memory_space<hbm>>)
      } else {
      }
      %add3A_73 = arith.constant 2 : i32
      %add3A_74 = arith.addi %add3A_52, %add3A_73 : i32
      %lt3A_75 = arith.constant 12 : i32
      %lt3A_76 = arith.cmpi slt, %add3A_74, %lt3A_75 : i32
      %convert_element_type3A_77 = arith.extui %lt3A_76 : i1 to i32
      %cond3A_78 = arith.constant 0 : i32
      %cond3A_79 = arith.cmpi ne, %convert_element_type3A_77, %cond3A_78 : i32
      scf.if %cond3A_79 {
        %add3A_142 = arith.constant 2 : i32
        %add3A_143 = arith.addi %add3A_52, %add3A_142 : i32
        %add3A_144 = arith.constant 52 : i32
        %add3A_145 = arith.addi %add3A_144, %add3A_143 : i32
        %mul3A_146 = arith.constant 786432 : i32
        %mul3A_147 = arith.muli %add3A_145, %mul3A_146 : i32
        %add3A_148 = arith.addi %mul3A_147, %mul3A_2 : i32
        %dma_start3A_149 = tpu.memref_slice %arg2[%add3A_148] : memref<50331648xf32, #tpu.memory_space<hbm>> -> memref<24576xf32, #tpu.memory_space<hbm>>
        %dma_start3A_150 = tpu.memref_slice %arg2[%add3A_148] : memref<50331648xf32, #tpu.memory_space<hbm>> -> memref<24576xf32, #tpu.memory_space<hbm>>
        tpu.enqueue_dma source(%dma_start3A_150 : memref<24576xf32, #tpu.memory_space<hbm>>) target(%arg9 : memref<24576xf32, #tpu.memory_space<vmem>>) target_semaphore(%arg13 : memref<!tpu.dma_semaphore, #tpu.memory_space<semaphore_mem>>)
      } else {
      }
      %mul3A_80 = arith.constant 4 : i32
      %mul3A_81 = arith.muli %mul3A_80, %scan3A_22 : i32
      %add3A_82 = arith.constant 2 : i32
      %add3A_83 = arith.addi %mul3A_81, %add3A_82 : i32
      %add3A_84 = arith.constant 52 : i32
      %add3A_85 = arith.addi %add3A_84, %add3A_83 : i32
      %mul3A_86 = arith.constant 786432 : i32
      %mul3A_87 = arith.muli %add3A_85, %mul3A_86 : i32
      %add3A_88 = arith.addi %mul3A_87, %mul3A_2 : i32
      %dma_wait3A_89 = tpu.memref_slice %arg2[%add3A_88] : memref<50331648xf32, #tpu.memory_space<hbm>> -> memref<24576xf32, #tpu.memory_space<hbm>>
      %dma_wait3A_90 = tpu.memref_slice %arg2[%add3A_88] : memref<50331648xf32, #tpu.memory_space<hbm>> -> memref<24576xf32, #tpu.memory_space<hbm>>
      tpu.wait_dma2 semaphore(%arg12 : memref<!tpu.dma_semaphore, #tpu.memory_space<semaphore_mem>>) src(%dma_wait3A_90 : memref<24576xf32, #tpu.memory_space<hbm>>) dst(%arg8 : memref<24576xf32, #tpu.memory_space<vmem>>)
      %parallel_loop3A_91 = arith.constant 0 : i32
      %parallel_loop3A_92 = arith.constant 1536 : i32
      %parallel_loop3A_93 = arith.constant 1 : i32
      scf.for %parallel_loop3A_142 = %parallel_loop3A_91 to %parallel_loop3A_92 step %parallel_loop3A_93  : i32 {
        %parallel_loop3A_143 = arith.constant 16 : i32
        %parallel_loop3A_144 = arith.muli %parallel_loop3A_142, %parallel_loop3A_143 : i32
        %parallel_loop3A_145 = arith.index_cast %parallel_loop3A_144 : i32 to index
        %parallel_loop3A_146 = tpu.vector_load %arg5[%parallel_loop3A_145] {strides = array<i32>} : memref<24576xf32, #tpu.memory_space<vmem>>, vector<16xf32>,
        %parallel_loop3A_147 = vector.shape_cast %parallel_loop3A_146 : vector<16xf32> to vector<16xf32>
        %parallel_loop3A_148 = arith.index_cast %parallel_loop3A_144 : i32 to index
        %parallel_loop3A_149 = tpu.vector_load %arg8[%parallel_loop3A_148] {strides = array<i32>} : memref<24576xf32, #tpu.memory_space<vmem>>, vector<16xf32>,
        %parallel_loop3A_150 = vector.shape_cast %parallel_loop3A_149 : vector<16xf32> to vector<16xf32>
        %parallel_loop3A_151 = vector.shape_cast %parallel_loop3A_147 : vector<16xf32> to vector<16xf32>
        tpu.vector_store %arg8[%parallel_loop3A_148], %parallel_loop3A_151 {add = true, strides = array<i32>} : memref<24576xf32, #tpu.memory_space<vmem>>, vector<16xf32>,
      } {sc.loop_unroll_factor = 8 : i64, sc.parallel_access}
      %mul3A_94 = arith.constant 786432 : i32
      %mul3A_95 = arith.muli %add3A_83, %mul3A_94 : i32
      %add3A_96 = arith.addi %mul3A_95, %mul3A_2 : i32
      %dma_start3A_97 = tpu.memref_slice %arg4[%add3A_96] : memref<9437184xf32, #tpu.memory_space<hbm>> -> memref<24576xf32, #tpu.memory_space<hbm>>
      %dma_start3A_98 = tpu.memref_slice %arg4[%add3A_96] : memref<9437184xf32, #tpu.memory_space<hbm>> -> memref<24576xf32, #tpu.memory_space<hbm>>
      tpu.enqueue_dma source(%arg8 : memref<24576xf32, #tpu.memory_space<vmem>>) target(%dma_start3A_98 : memref<24576xf32, #tpu.memory_space<hbm>>) target_semaphore(%arg16 : memref<!tpu.dma_semaphore, #tpu.memory_space<semaphore_mem>>)
      %ge3A_99 = arith.constant 2 : i32
      %ge3A_100 = arith.cmpi sge, %add3A_83, %ge3A_99 : i32
      %convert_element_type3A_101 = arith.extui %ge3A_100 : i1 to i32
      %cond3A_102 = arith.constant 0 : i32
      %cond3A_103 = arith.cmpi ne, %convert_element_type3A_101, %cond3A_102 : i32
      scf.if %cond3A_103 {
        %sub3A = arith.constant 2 : i32
        %sub3A_142 = arith.subi %add3A_83, %sub3A : i32
        %mul3A_143 = arith.constant 786432 : i32
        %mul3A_144 = arith.muli %sub3A_142, %mul3A_143 : i32
        %add3A_145 = arith.addi %mul3A_144, %mul3A_2 : i32
        %dma_wait3A_146 = tpu.memref_slice %arg4[%add3A_145] : memref<9437184xf32, #tpu.memory_space<hbm>> -> memref<24576xf32, #tpu.memory_space<hbm>>
        %dma_wait3A_147 = tpu.memref_slice %arg4[%add3A_145] : memref<9437184xf32, #tpu.memory_space<hbm>> -> memref<24576xf32, #tpu.memory_space<hbm>>
        tpu.wait_dma2 semaphore(%arg14 : memref<!tpu.dma_semaphore, #tpu.memory_space<semaphore_mem>>) src(%arg6 : memref<24576xf32, #tpu.memory_space<vmem>>) dst(%dma_wait3A_147 : memref<24576xf32, #tpu.memory_space<hbm>>)
      } else {
      }
      %add3A_104 = arith.constant 2 : i32
      %add3A_105 = arith.addi %add3A_83, %add3A_104 : i32
      %lt3A_106 = arith.constant 12 : i32
      %lt3A_107 = arith.cmpi slt, %add3A_105, %lt3A_106 : i32
      %convert_element_type3A_108 = arith.extui %lt3A_107 : i1 to i32
      %cond3A_109 = arith.constant 0 : i32
      %cond3A_110 = arith.cmpi ne, %convert_element_type3A_108, %cond3A_109 : i32
      scf.if %cond3A_110 {
        %add3A_142 = arith.constant 2 : i32
        %add3A_143 = arith.addi %add3A_83, %add3A_142 : i32
        %add3A_144 = arith.constant 52 : i32
        %add3A_145 = arith.addi %add3A_144, %add3A_143 : i32
        %mul3A_146 = arith.constant 786432 : i32
        %mul3A_147 = arith.muli %add3A_145, %mul3A_146 : i32
        %add3A_148 = arith.addi %mul3A_147, %mul3A_2 : i32
        %dma_start3A_149 = tpu.memref_slice %arg2[%add3A_148] : memref<50331648xf32, #tpu.memory_space<hbm>> -> memref<24576xf32, #tpu.memory_space<hbm>>
        %dma_start3A_150 = tpu.memref_slice %arg2[%add3A_148] : memref<50331648xf32, #tpu.memory_space<hbm>> -> memref<24576xf32, #tpu.memory_space<hbm>>
        tpu.enqueue_dma source(%dma_start3A_150 : memref<24576xf32, #tpu.memory_space<hbm>>) target(%arg6 : memref<24576xf32, #tpu.memory_space<vmem>>) target_semaphore(%arg10 : memref<!tpu.dma_semaphore, #tpu.memory_space<semaphore_mem>>)
      } else {
      }
      %mul3A_111 = arith.constant 4 : i32
      %mul3A_112 = arith.muli %mul3A_111, %scan3A_22 : i32
      %add3A_113 = arith.constant 3 : i32
      %add3A_114 = arith.addi %mul3A_112, %add3A_113 : i32
      %add3A_115 = arith.constant 52 : i32
      %add3A_116 = arith.addi %add3A_115, %add3A_114 : i32
      %mul3A_117 = arith.constant 786432 : i32
      %mul3A_118 = arith.muli %add3A_116, %mul3A_117 : i32
      %add3A_119 = arith.addi %mul3A_118, %mul3A_2 : i32
      %dma_wait3A_120 = tpu.memref_slice %arg2[%add3A_119] : memref<50331648xf32, #tpu.memory_space<hbm>> -> memref<24576xf32, #tpu.memory_space<hbm>>
      %dma_wait3A_121 = tpu.memref_slice %arg2[%add3A_119] : memref<50331648xf32, #tpu.memory_space<hbm>> -> memref<24576xf32, #tpu.memory_space<hbm>>
      tpu.wait_dma2 semaphore(%arg13 : memref<!tpu.dma_semaphore, #tpu.memory_space<semaphore_mem>>) src(%dma_wait3A_121 : memref<24576xf32, #tpu.memory_space<hbm>>) dst(%arg9 : memref<24576xf32, #tpu.memory_space<vmem>>)
      %parallel_loop3A_122 = arith.constant 0 : i32
      %parallel_loop3A_123 = arith.constant 1536 : i32
      %parallel_loop3A_124 = arith.constant 1 : i32
      scf.for %parallel_loop3A_142 = %parallel_loop3A_122 to %parallel_loop3A_123 step %parallel_loop3A_124  : i32 {
        %parallel_loop3A_143 = arith.constant 16 : i32
        %parallel_loop3A_144 = arith.muli %parallel_loop3A_142, %parallel_loop3A_143 : i32
        %parallel_loop3A_145 = arith.index_cast %parallel_loop3A_144 : i32 to index
        %parallel_loop3A_146 = tpu.vector_load %arg5[%parallel_loop3A_145] {strides = array<i32>} : memref<24576xf32, #tpu.memory_space<vmem>>, vector<16xf32>,
        %parallel_loop3A_147 = vector.shape_cast %parallel_loop3A_146 : vector<16xf32> to vector<16xf32>
        %parallel_loop3A_148 = arith.index_cast %parallel_loop3A_144 : i32 to index
        %parallel_loop3A_149 = tpu.vector_load %arg9[%parallel_loop3A_148] {strides = array<i32>} : memref<24576xf32, #tpu.memory_space<vmem>>, vector<16xf32>,
        %parallel_loop3A_150 = vector.shape_cast %parallel_loop3A_149 : vector<16xf32> to vector<16xf32>
        %parallel_loop3A_151 = vector.shape_cast %parallel_loop3A_147 : vector<16xf32> to vector<16xf32>
        tpu.vector_store %arg9[%parallel_loop3A_148], %parallel_loop3A_151 {add = true, strides = array<i32>} : memref<24576xf32, #tpu.memory_space<vmem>>, vector<16xf32>,
      } {sc.loop_unroll_factor = 8 : i64, sc.parallel_access}
      %mul3A_125 = arith.constant 786432 : i32
      %mul3A_126 = arith.muli %add3A_114, %mul3A_125 : i32
      %add3A_127 = arith.addi %mul3A_126, %mul3A_2 : i32
      %dma_start3A_128 = tpu.memref_slice %arg4[%add3A_127] : memref<9437184xf32, #tpu.memory_space<hbm>> -> memref<24576xf32, #tpu.memory_space<hbm>>
      %dma_start3A_129 = tpu.memref_slice %arg4[%add3A_127] : memref<9437184xf32, #tpu.memory_space<hbm>> -> memref<24576xf32, #tpu.memory_space<hbm>>
      tpu.enqueue_dma source(%arg9 : memref<24576xf32, #tpu.memory_space<vmem>>) target(%dma_start3A_129 : memref<24576xf32, #tpu.memory_space<hbm>>) target_semaphore(%arg17 : memref<!tpu.dma_semaphore, #tpu.memory_space<semaphore_mem>>)
      %ge3A_130 = arith.constant 2 : i32
      %ge3A_131 = arith.cmpi sge, %add3A_114, %ge3A_130 : i32
      %convert_element_type3A_132 = arith.extui %ge3A_131 : i1 to i32
      %cond3A_133 = arith.constant 0 : i32
      %cond3A_134 = arith.cmpi ne, %convert_element_type3A_132, %cond3A_133 : i32
      scf.if %cond3A_134 {
        %sub3A = arith.constant 2 : i32
        %sub3A_142 = arith.subi %add3A_114, %sub3A : i32
        %mul3A_143 = arith.constant 786432 : i32
        %mul3A_144 = arith.muli %sub3A_142, %mul3A_143 : i32
        %add3A_145 = arith.addi %mul3A_144, %mul3A_2 : i32
        %dma_wait3A_146 = tpu.memref_slice %arg4[%add3A_145] : memref<9437184xf32, #tpu.memory_space<hbm>> -> memref<24576xf32, #tpu.memory_space<hbm>>
        %dma_wait3A_147 = tpu.memref_slice %arg4[%add3A_145] : memref<9437184xf32, #tpu.memory_space<hbm>> -> memref<24576xf32, #tpu.memory_space<hbm>>
        tpu.wait_dma2 semaphore(%arg15 : memref<!tpu.dma_semaphore, #tpu.memory_space<semaphore_mem>>) src(%arg7 : memref<24576xf32, #tpu.memory_space<vmem>>) dst(%dma_wait3A_147 : memref<24576xf32, #tpu.memory_space<hbm>>)
      } else {
      }
      %add3A_135 = arith.constant 2 : i32
      %add3A_136 = arith.addi %add3A_114, %add3A_135 : i32
      %lt3A_137 = arith.constant 12 : i32
      %lt3A_138 = arith.cmpi slt, %add3A_136, %lt3A_137 : i32
      %convert_element_type3A_139 = arith.extui %lt3A_138 : i1 to i32
      %cond3A_140 = arith.constant 0 : i32
      %cond3A_141 = arith.cmpi ne, %convert_element_type3A_139, %cond3A_140 : i32
      scf.if %cond3A_141 {
        %add3A_142 = arith.constant 2 : i32
        %add3A_143 = arith.addi %add3A_114, %add3A_142 : i32
        %add3A_144 = arith.constant 52 : i32
        %add3A_145 = arith.addi %add3A_144, %add3A_143 : i32
        %mul3A_146 = arith.constant 786432 : i32
        %mul3A_147 = arith.muli %add3A_145, %mul3A_146 : i32
        %add3A_148 = arith.addi %mul3A_147, %mul3A_2 : i32
        %dma_start3A_149 = tpu.memref_slice %arg2[%add3A_148] : memref<50331648xf32, #tpu.memory_space<hbm>> -> memref<24576xf32, #tpu.memory_space<hbm>>
        %dma_start3A_150 = tpu.memref_slice %arg2[%add3A_148] : memref<50331648xf32, #tpu.memory_space<hbm>> -> memref<24576xf32, #tpu.memory_space<hbm>>
        tpu.enqueue_dma source(%dma_start3A_150 : memref<24576xf32, #tpu.memory_space<hbm>>) target(%arg7 : memref<24576xf32, #tpu.memory_space<vmem>>) target_semaphore(%arg11 : memref<!tpu.dma_semaphore, #tpu.memory_space<semaphore_mem>>)
      } else {
      }
    }
    %scan3A_14 = arith.constant 3 : i32
    %add3A_15 = arith.constant 7864320 : i32
    %add3A_16 = arith.addi %add3A_15, %mul3A_2 : i32
    %dma_wait3A = tpu.memref_slice %arg4[%add3A_16] : memref<9437184xf32, #tpu.memory_space<hbm>> -> memref<24576xf32, #tpu.memory_space<hbm>>
    %dma_wait3A_17 = tpu.memref_slice %arg4[%add3A_16] : memref<9437184xf32, #tpu.memory_space<hbm>> -> memref<24576xf32, #tpu.memory_space<hbm>>
    tpu.wait_dma2 semaphore(%arg16 : memref<!tpu.dma_semaphore, #tpu.memory_space<semaphore_mem>>) src(%arg8 : memref<24576xf32, #tpu.memory_space<vmem>>) dst(%dma_wait3A_17 : memref<24576xf32, #tpu.memory_space<hbm>>)
    %add3A_18 = arith.constant 8650752 : i32
    %add3A_19 = arith.addi %add3A_18, %mul3A_2 : i32
    %dma_wait3A_20 = tpu.memref_slice %arg4[%add3A_19] : memref<9437184xf32, #tpu.memory_space<hbm>> -> memref<24576xf32, #tpu.memory_space<hbm>>
    %dma_wait3A_21 = tpu.memref_slice %arg4[%add3A_19] : memref<9437184xf32, #tpu.memory_space<hbm>> -> memref<24576xf32, #tpu.memory_space<hbm>>
    tpu.wait_dma2 semaphore(%arg17 : memref<!tpu.dma_semaphore, #tpu.memory_space<semaphore_mem>>) src(%arg9 : memref<24576xf32, #tpu.memory_space<vmem>>) dst(%dma_wait3A_21 : memref<24576xf32, #tpu.memory_space<hbm>>)
    return
  }
}

module attributes {stable_mosaic.version = 14 : i64} {
  func.func @_add_body(%arg0: i32, %arg1: memref<1x1024x768xf32, #tpu.memory_space<vmem>>, %arg2: memref<1024x768xf32, #tpu.memory_space<vmem>>, %arg3: memref<1x1024x768xf32, #tpu.memory_space<vmem>>) attributes {dimension_semantics = [#tpu.dimension_semantics<arbitrary>], iteration_bounds = array<i64: 52>, scalar_prefetch = 0 : i64, scratch_operands = 0 : i64, tpu.core_type = #tpu.core_type<tc>, window_params = [{transform_indices = @transform_0, window_bounds = array<i64: 1, 1024, 768>}, {pipeline_mode = #tpu.pipeline_mode<synchronous>, transform_indices = @transform_1, window_bounds = array<i64: 1024, 768>}, {transform_indices = @transform_2, window_bounds = array<i64: 1, 1024, 768>}]} {
    %get3A = arith.constant 0 : index
    %get3A_0 = arith.constant 0 : index
    %get3A_1 = arith.constant 0 : index
    %get3A_2 = vector.load %arg1[%get3A, %get3A_0, %get3A_1] : memref<1x1024x768xf32, #tpu.memory_space<vmem>>, vector<1x1024x768xf32>
    %get3A_3 = arith.constant 0 : index
    %get3A_4 = arith.constant 0 : index
    %get3A_5 = vector.load %arg2[%get3A_3, %get3A_4] : memref<1024x768xf32, #tpu.memory_space<vmem>>, vector<1024x768xf32>
    %broadcast_in_dim3A = vector.shape_cast %get3A_5 : vector<1024x768xf32> to vector<1x1024x768xf32>
    %add3A = arith.addf %get3A_2, %broadcast_in_dim3A : vector<1x1024x768xf32>
    %swap3A = arith.constant 0 : index
    %swap3A_6 = arith.constant 0 : index
    %swap3A_7 = arith.constant 0 : index
    %swap3A_8 = vector.load %arg3[%swap3A, %swap3A_6, %swap3A_7] : memref<1x1024x768xf32, #tpu.memory_space<vmem>>, vector<1x1024x768xf32>
    tpu.vector_store %arg3[%swap3A, %swap3A_6, %swap3A_7], %add3A {strides = array<i32>} : memref<1x1024x768xf32, #tpu.memory_space<vmem>>, vector<1x1024x768xf32>,
    return
  }
  func.func @transform_0(%arg0: i32) -> (i32, i32, i32) {
    %c0_i32 = arith.constant 0 : i32
    %c0_i32_0 = arith.constant 0 : i32
    %c0_i32_1 = arith.constant 0 : i32
    return %arg0, %c0_i32, %c0_i32_0 : i32, i32, i32
  }
  func.func @transform_1(%arg0: i32) -> (i32, i32) {
    %c0_i32 = arith.constant 0 : i32
    %c0_i32_0 = arith.constant 0 : i32
    %c0_i32_1 = arith.constant 0 : i32
    return %c0_i32, %c0_i32_0 : i32, i32
  }
  func.func @transform_2(%arg0: i32) -> (i32, i32, i32) {
    %c0_i32 = arith.constant 0 : i32
    %c0_i32_0 = arith.constant 0 : i32
    %c0_i32_1 = arith.constant 0 : i32
    return %arg0, %c0_i32, %c0_i32_0 : i32, i32, i32
  }
}

</mosaic_0001>

<sc_bundles>
// kernel: kernel.4.cloned.1.call-start
scs
__scs_entry_jumppad:
0x0: {  	(pc) =	sbr.rel $0x88, $3  }
0x1: {  	(tag) =	ssettag $0x0;
	lr =	simm.s32 $0x1  }
0x2: {  	[smem:$0x3F9F] =	sst lr;
	_ =	strace $0xD0000000  }
0x3: {  	_ = 	snop  }
0x4: {  	_ = 	snop  }
0x5: {  	_ = 	snop  }
0x6: {  	_ = 	snop  }
0x7: {  	_ = 	snop  }
__scs_overlays_trampoline_lowered:
0x8: {  	[smem:$0x3FAE] =	sst s0  }
0x9: {  	[smem:$0x3FAF] =	sst s1  }
0xa: {  	[smem:$0x3FB0] =	sst s2  }
0xb: {  	[smem:$0x3FB1] =	sst s3  }
0xc: {  	[smem:$0x3FB2] =	sst s4  }
0xd: {  	[smem:$0x3FB3] =	sst s5  }
0xe: {  	[smem:$0x3FB4] =	sst s6  }
0xf: {  	[smem:$0x3FB5] =	sst s7  }
0x10: {  	[smem:$0x3FB6] =	sst s8  }
0x11: {  	[smem:$0x3FB7] =	sst s9;
	s0 =	simm.s32 @!p0 $0x0  }
0x12: {  	s1 =	sld [smem:$0x3F9D];
	s0 =	simm.s32 @p0 $0x1  }
0x13: {  	[smem:$0x3FB8] =	sst s0;
	s0 =	simm.s32 @!p1 $0x0  }
0x14: {  	s2 =	sld [smem:$0x3F9C];
	s0 =	simm.s32 @p1 $0x1  }
0x15: {  	[smem:$0x3FB9] =	sst s0;
	s0 =	simm.s32 @!p2 $0x0  }
0x16: {  	s3 =	sld [smem:$0x3FDB];
	s0 =	simm.s32 @p2 $0x1  }
0x17: {  	s4 =	simm.s32 $0x1BF5;
	[smem:$0x3FBB] =	sst s0  }
0x18: {  	s0 =	sld [smem:$0x3F9E];
	_ =	swait.ge [sflag:s4], $0x0  }
0x19: {  	s7 =	sld [smem:$0x3F9F]  }
0x1a: {  	s8 =	sadd.s32 $0xFFFFE003, lr  }
0x1b: {  	s9 =	sadd.s32 $0xFFFFFEF7, lr;
	s5 =	simm.s32 $0xFFFFFFFF;
	p2 =	slt.u32 s8, $0xFFFFF086  }
0x1c: {  	p1 =	slt.u32 s9, $0xF7A;
	s5 =	simm.s32 @!p2 $0x0  }
0x1d: {  	s5 =	simm.s32 @p1 $0x1;
	p0 =	seq.s32 s7, s2  }
0x1e: {  	s7 =	smul.u32 @!p0 $0xF7A, s2;
	p2 =	seq.s32 @!p0 s5, $0x0  }
0x1f: {  	s9 =	smul.u32 $0xF7A, s1;
	s8 =	simm.s32 @!p0 $0x1BF5;
	p2 =	por !p2, p0  }
0x20: {  	[sflag:s8] =	ssyncset.s32 @!p0 $0xFFFFF086;
	s6 =	sadd.s32 @!p0 s3, s7;
	s7 =	simm.s32 @!p0 $0x108  }
0x21: {  	s3 =	sadd.s32 s3, s9;
	s6 =	sadd.s32 @!p0 $0x88, s6;
	s7 =	simm.s32 @p2 $0x1082  }
0x22: {  	[simem:s7], [sflag:s8] =	dma.local @!p0 [hbm:s6], $0xF7A  }
0x23: {  	s9 =	sor.u32 $0xD0000000, s2;
	s6 =	simm.s32 $0x108;
	_ =	swait.ge @!p0 [sflag:s8], $0x0  }
0x24: {  	s3 =	sadd.s32 $0x88, s3;
	s6 =	simm.s32 @!p1 $0x1082;
	[sflag:s4] =	ssyncset.s32 $0xFFFFF086  }
0x25: {  	[simem:s6], [sflag:s4] =	dma.local [hbm:s3], $0xF7A  }
0x26: {  	[smem:$0x3F9F] =	sst s1;
	(tag) =	ssettag s2;
	_ =	strace s9  }
0x27: {  	s1 =	sld [smem:$0x3FAF]  }
0x28: {  	s2 =	sld [smem:$0x3FB0]  }
0x29: {  	s4 =	sld [smem:$0x3FB2]  }
0x2a: {  	p0 =	seq.s32 s5, $0x0;
	s5 =	sld [smem:$0x3FB3]  }
0x2b: {  	s6 =	sld [smem:$0x3FB4]  }
0x2c: {  	s7 =	sld [smem:$0x3FB5]  }
0x2d: {  	s3 =	simm.s32 $0x108;
	s8 =	sld [smem:$0x3FB6]  }
0x2e: {  	s3 =	simm.s32 @!p0 $0x1082;
	s9 =	sld [smem:$0x3FB7]  }
0x2f: {  	lr =	sadd.s32 s0, s3;
	s0 =	sld [smem:$0x3FAE]  }
0x30: {  	s3 =	sld [smem:$0x3FB1]  }
0x31: {  	[smem:$0x3FBA] =	sst s10  }
0x32: {  	s10 =	sld [smem:$0x3FB8];
	_ =	sdelay $0x3  }
0x33: {  	p0 =	seq.s32 s10, $0x1;
	s10 =	sld [smem:$0x3FBA];
	_ =	sdelay $0x3  }
0x34: {  	[smem:$0x3FBA] =	sst s10  }
0x35: {  	s10 =	sld [smem:$0x3FB9];
	_ =	sdelay $0x3  }
0x36: {  	p1 =	seq.s32 s10, $0x1;
	s10 =	sld [smem:$0x3FBA];
	_ =	sdelay $0x3  }
0x37: {  	[smem:$0x3FBA] =	sst s10  }
0x38: {  	s10 =	sld [smem:$0x3FBB]  }
0x39: {  	_ = 	snop;
	(pc) =	sbr.ind lr, $3  }
0x3a: {  	_ = 	snop  }
0x3b: {  	_ = 	snop  }
0x3c: {  	p2 =	seq.s32 s10, $0x1;
	s10 =	sld [smem:$0x3FBA]  }
0x3d: {  	_ =	shalt  }
0x3e: {  	_ =	shalt  }
0x3f: {  	_ =	shalt  }
0x40: {  	_ =	shalt  }
0x41: {  	_ =	shalt  }
0x42: {  	_ =	shalt  }
0x43: {  	_ =	shalt  }
0x44: {  	_ =	shalt  }
0x45: {  	_ =	shalt  }
0x46: {  	_ =	shalt  }
0x47: {  	_ =	shalt  }
0x48: {  	_ =	shalt  }
0x49: {  	_ =	shalt  }
0x4a: {  	_ =	shalt  }
0x4b: {  	_ =	shalt  }
0x4c: {  	_ =	shalt  }
0x4d: {  	_ =	shalt  }
0x4e: {  	_ =	shalt  }
0x4f: {  	_ =	shalt  }
0x50: {  	_ =	shalt  }
0x51: {  	_ =	shalt  }
0x52: {  	_ =	shalt  }
0x53: {  	_ =	shalt  }
0x54: {  	_ =	shalt  }
0x55: {  	_ =	shalt  }
0x56: {  	_ =	shalt  }
0x57: {  	_ =	shalt  }
0x58: {  	_ =	shalt  }
0x59: {  	_ =	shalt  }
0x5a: {  	_ =	shalt  }
0x5b: {  	_ =	shalt  }
0x5c: {  	_ =	shalt  }
0x5d: {  	_ =	shalt  }
0x5e: {  	_ =	shalt  }
0x5f: {  	_ =	shalt  }
0x60: {  	_ =	shalt  }
0x61: {  	_ =	shalt  }
0x62: {  	_ =	shalt  }
0x63: {  	_ =	shalt  }
0x64: {  	_ =	shalt  }
0x65: {  	_ =	shalt  }
0x66: {  	_ =	shalt  }
0x67: {  	_ =	shalt  }
0x68: {  	_ =	shalt  }
0x69: {  	_ =	shalt  }
0x6a: {  	_ =	shalt  }
0x6b: {  	_ =	shalt  }
0x6c: {  	_ =	shalt  }
0x6d: {  	_ =	shalt  }
0x6e: {  	_ =	shalt  }
0x6f: {  	_ =	shalt  }
0x70: {  	_ =	shalt  }
0x71: {  	_ =	shalt  }
0x72: {  	_ =	shalt  }
0x73: {  	_ =	shalt  }
0x74: {  	_ =	shalt  }
0x75: {  	_ =	shalt  }
0x76: {  	_ =	shalt  }
0x77: {  	_ =	shalt  }
0x78: {  	_ =	shalt  }
0x79: {  	_ =	shalt  }
0x7a: {  	_ =	shalt  }
0x7b: {  	_ =	shalt  }
0x7c: {  	_ =	shalt  }
0x7d: {  	_ =	shalt  }
0x7e: {  	_ =	shalt  }
0x7f: {  	_ =	shalt  }
0x80: {  	_ =	shalt  }
0x81: {  	_ =	shalt  }
0x82: {  	_ =	shalt  }
0x83: {  	_ =	shalt  }
0x84: {  	_ =	shalt  }
0x85: {  	_ =	shalt  }
0x86: {  	_ =	shalt  }
0x87: {  	_ =	shalt  }
.Lfunc_end0:
.L_simem_size_0:
called_computation_lowered:
.L_overlay_start_0:
0x88: {  	s2 =	sld [smem:$0x3FD9]  }
0x89: {  	s3 =	sld [smem:$0x3FFE];
	_ =	sdelay $0x1  }
0x8a: {  	s1 =	srdreg.scid  }
0x8b: {  	s0 =	sand.u32 $0x1, s1  }
0x8c: {  	s17 =	sshll.u32 s0, $0xA;
	s2 =	sadd.s32 s3, s2  }
0x8d: {  	s2 =	sadd.s32 s2, s17  }
0x8e: {  	[smem:$0x3FC6] =	sst s2  }
0x8f: {  	_ = 	snop  }
0x90: {  	s2 =	sld [smem:$0x3FD0];
	(tm) =	ssettm $0x1  }
0x91: {  	s18 =	sld [smem:$0x3FFB];
	_ =	sdelay $0x3  }
0x92: {  	_ =	strace s18  }
0x93: {  	s3 =	sld [smem:$0x3FFC];
	_ =	sdelay $0x3  }
0x94: {  	_ =	strace s3  }
0x95: {  	s3 =	sld [smem:$0x3FFD];
	_ =	sdelay $0x3  }
0x96: {  	_ =	strace s3  }
0x97: {  	_ =	strace $0x8FFFFFFF  }
0x98: {  	s19 =	sld [smem:$0x3FDB];
	_ =	sdelay $0x1  }
0x99: {  	s4 =	simm.s32 $_scs_section_size  }
0x9a: {  	s5 =	simm.s32 $_size__tile_overlayer_lowered;
	s6 =	simm.s32 $_tile_overlayer_lowered  }
0x9b: {  	s22 =	simm.s32 $0x1BFF;
	s21 =	sshll.u32 s6, $0x1;
	s3 =	sadd.s32 s4, s19  }
0x9c: {  	s7 =	simm.s32 $0x0;
	s20 =	sshll.u32 s5, $0x1;
	s5 =	sadd.s32 s21, s3  }
0x9d: {  	[timem:s7], [sflag:s22] =	dma.local [hbm:s5], s20  }
0x9e: {  	_ =	swait.ge [sflag:s22], s20  }
0x9f: {  	s4 =	ssub.s32 $0x0, s20;
	[sflag:s22] =	ssyncset.done $0x0  }
0xa0: {  	[sflag:s22] =	ssyncadd.s32 s4;
	_ =	sdelay $0x1  }
0xa1: {  	s23 =	simm.s32 $0x1B8B  }
0xa2: {  	_ =	swait.ge [sflag:s23], $0x1  }
0xa3: {  	[sflag:s23] =	ssyncset.done $0x0  }
0xa4: {  	s25 =	simm.s32 $0x1B8E;
	s24 =	sld [smem:$0x3FFE];
	[sflag:s23] =	ssyncadd.s32 $0xFFFFFFFF  }
0xa5: {  	s26 =	simm.s32 $execute0_lowered;
	[smem:$0x3FD2] =	sst s25  }
0xa6: {  	s5 =	sshll.u32 s26, $0x1;
	_ =	strace $0x80000046;
	[dreg:$0x1] =	wrdreg $0xFFFFFFFF  }
0xa7: {  	s28 =	simm.s32 $_size_execute0_lowered;
	s3 =	sadd.s32 s3, s5;
	[dreg:$0x0] =	wrdreg $0x0  }
0xa8: {  	s5 =	sshll.u32 s28, $0x1;
	[dreg:$0x2] =	wrdreg s3  }
0xa9: {  	[dreg:$0x3] =	wrdreg s5  }
0xaa: {  	[dreg:$0x4] =	wrdreg $0xC0  }
0xab: {  	_ =	task [dreg:s7], $0x5FFFF  }
0xac: {  	[dreg:$0x1] =	wrdreg $0xFFFFFFFF  }
0xad: {  	[dreg:$0x0] =	wrdreg $0x60  }
0xae: {  	[dreg:$0x2] =	wrdreg s2  }
0xaf: {  	[dreg:$0x3] =	wrdreg s24  }
0xb0: {  	[dreg:$0x4] =	wrdreg $0x9  }
0xb1: {  	_ =	task.clear_ibuf [dreg:s7], $0x5FFFF;
	_ =	strace $0x90000046  }
0xb2: {  	s29 =	simm.s32 $0x9;
	_ =	strace $0x80000048  }
0xb3: {  	_ =	swait.ge [sflag:s29], $0x1  }
0xb4: {  	[sflag:s29] =	ssyncadd.s32 $0xFFFFFFFF  }
0xb5: {  	_ =	strace $0x90000048  }
0xb6: {  	_ =	sfence  }
0xb7: {  	s30 =	sld [smem:$0x0];
	_ =	sdelay $0x2  }
0xb8: {  	s31 =	sshll.u32 s1, $0xD;
	s1 =	sshrl.u32 s1, $0x2  }
0xb9: {  	s3 =	sand.u32 $0x4000, s31;
	s1 =	sadd.s32 s1, s30  }
0xba: {  	s0 =	sor.u32 s3, s0;
	s1 =	sshll.u32 s1, $0x11  }
0xbb: {  	s0 =	sor.u32 s1, s0  }
0xbc: {  	s0 =	sadd.s32 $0x8F2B, s0  }
0xbd: {  	[sflag:s0] =	ssyncadd.remote.s32 $0x1  }
0xbe: {  	_ =	sfence.sel $0xFFFF  }
0xbf: {  	[dreg:$0x0] =	wrdreg $0xFFFFFFFF;
	(pc) =	sbr.abs _section_cstart, $3  }
0xc0: {  	[dreg:$0x1] =	wrdreg $0xFFFFFFFF  }
0xc1: {  	_ =	task.clear_ibuf [dreg:s7], $0x2FFFF;
	_ =	strace $0x9FFFFFFF  }
0xc2: {  	(tm) =	ssettm $0x7FFFFFFF  }
0xc3: {  	_ =	shalt  }
tec
execute0_lowered:
.L_overlay_start_1:
0x0: {  	(tag) =	ssettag $0x1  }
0x1: {  	s0 =	srdreg.scid;
	s2 =	rddreg [dreg:$0x0]  }
0x2: {  	s1 =	stileid.u32;
	s5 =	rddreg [dreg:$0x1];
	s3 =	simm.s32 $0x0  }
0x3: {  	s17 =	simm.s32 $0x9;
	s18 =	simm.s32 $0x6000;
	s19 =	simm.s32 $0xC000  }
0x4: {  	s20 =	simm.s32 $0x1;
	s21 =	simm.s32 $0x12000;
	s22 =	simm.s32 $0x2  }
0x5: {  	s23 =	simm.s32 $0x18000;
	s24 =	simm.s32 $0x3;
	s25 =	simm.s32 $0x5  }
0x6: {  	s28 =	simm.s32 $0x6;
	s0 =	sand.u32 $0x1, s0;
	s1 =	sshll.u32 s1, $0x1  }
0x7: {  	s29 =	simm.s32 $0x7;
	s30 =	simm.s32 $0x8;
	s1 =	sor.u32 s0, s1  }
0x8: {  	[smem:$0x7FF] =	sst s3;
	s0 =	ssub.s32 $0x2, s0;
	s4 =	smul.u32 $0x6000, s1  }
0x9: {  	s31 =	simm.s32 $0x0;
	_ =	strace $0x80000047;
	s7 =	sshrl.u32 s0, $0x1  }
0xa: {  	s0 =	ssub.s32 s0, s7;
	s1 =	sshrl.u32 s4, $0x3;
	s9 =	sor.u32 $0x2A00000, s4  }
0xb: {  	s10 =	sadd.s32 $0x2880000, s4;
	s11 =	sadd.s32 $0xC0000, s4;
	s12 =	sadd.s32 $0x2940000, s4  }
.Ltmp0:
0xc: {  	s13 =	sadd.s32 $0x180000, s4;
	s6 =	sadd.s32 s1, s5;
	(pc) =	sbr.rel .LBB2_1-.Ltmp0, $4  }
0xd: {  	s14 =	sadd.s32 $0x240000, s4;
	s1 =	sadd.s32 s2, s1;
	s6 =	sadd.s32 $0x800, s6  }
0xe: {  	s15 =	sadd.s32 $0x2AC0000, s4;
	s26 =	sadd.s32 $0x4E0000, s1;
	[dreg:$0x3] =	wrdreg s6  }
0xf: {  	s16 =	smax.u32 s0, $0x1;
	s1 =	sadd.s32 $0x4F8000, s1;
	[dreg:$0x4] =	wrdreg s26  }
0x10: {  	s5 =	sadd.s32 $0x18800, s5;
	[dreg:$0x5] =	wrdreg s1;
	s26 =	simm.s32 $0x4  }
.LBB2_12:
0x11: {  	s31 =	sadd.s32 $0x1, s31  }
0x12: {  	_ =	swait.ge [sflag:s29], $0x6000;
	p0 =	sne.s32 s31, s16  }
.Ltmp1:
0x13: {  	[sflag:s29] =	ssyncset.done $0x0;
	(pc) =	sbr.rel @!p0 .LBB2_13-.Ltmp1, $4  }
0x14: {  	[sflag:s29] =	ssyncadd.s32 $0xFFFFA000  }
0x15: {  	_ =	swait.ge [sflag:s30], $0x6000  }
0x16: {  	[sflag:s30] =	ssyncset.done $0x0  }
0x17: {  	[sflag:s30] =	ssyncadd.s32 $0xFFFFA000  }
.LBB2_1:
0x18: {  	s0 =	rddreg [dreg:$0x3]  }
0x19: {  	[tilespmem:s3], [sflag:$0x9] =	stream.linear.gather [hbm4b:s0+s3], $0x6000, $0x38;
	[tilespmem:$0x1E000] =	vst v63  }
0x1a: {  	_ =	swait.ge [sflag:s17], $0x6000  }
0x1b: {  	[sflag:s17] =	ssyncset.done $0x0  }
0x1c: {  	s7 =	rddreg [dreg:$0x4];
	[sflag:s17] =	ssyncadd.s32 $0xFFFFA000  }
0x1d: {  	[tilespmem:s18], [sflag:$0x1] =	stream.linear.gather [hbm4b:s7+s3], $0x6000, $0x38;
	[tilespmem:$0x1E000] =	vst v63  }
0x1e: {  	s1 =	simm.s32 $0x0;
	s8 =	rddreg [dreg:$0x5]  }
0x1f: {  	[tilespmem:s19], [sflag:$0x2] =	stream.linear.gather [hbm4b:s8+s3], $0x6000, $0x38;
	[tilespmem:$0x1E000] =	vst v63  }
.LBB2_2:
0x20: {  	_ =	swait.ge [sflag:s20], $0x6000  }
0x21: {  	[sflag:s20] =	ssyncset.done $0x0  }
0x22: {  	s6 =	simm.s32 $0x0;
	[sflag:s20] =	ssyncadd.s32 $0xFFFFA000  }
0x23: {  	v0 =	vld [tilespmem:s6+$0x70]  }
0x24: {  	v1 =	vld [tilespmem:s6+$0x0]  }
0x25: {  	v2 =	vld [tilespmem:s6+$0x10]  }
0x26: {  	v3 =	vld [tilespmem:s6+$0x20]  }
0x27: {  	v4 =	vld [tilespmem:s6+$0x30]  }
0x28: {  	v5 =	vld [tilespmem:s6+$0x40]  }
0x29: {  	v6 =	vld [tilespmem:s6+$0x50]  }
0x2a: {  	[tilespmem:s6+$0x6070] =	vst.add.f32.msk $0xffff, v0  }
0x2b: {  	v0 =	vld [tilespmem:s6+$0x60]  }
0x2c: {  	[tilespmem:s6+$0x6000] =	vst.add.f32.msk $0xffff, v1  }
0x2d: {  	[tilespmem:s6+$0x6010] =	vst.add.f32.msk $0xffff, v2  }
0x2e: {  	[tilespmem:s6+$0x6020] =	vst.add.f32.msk $0xffff, v3  }
0x2f: {  	[tilespmem:s6+$0x6030] =	vst.add.f32.msk $0xffff, v4  }
0x30: {  	[tilespmem:s6+$0x6040] =	vst.add.f32.msk $0xffff, v5  }
0x31: {  	s0 =	simm.s32 $0x0;
	s7 =	simm.s32 $0x200;
	[tilespmem:s6+$0x6050] =	vst.add.f32.msk $0xffff, v6  }
.LBB2_3:
0x32: {  	s0 =	sadd.s32 $0x8, s0;
	[tilespmem:s6+$0x6060] =	vst.add.f32.msk $0xffff, v0;
	s6 =	sshra.s32 s7, $0x2  }
0x33: {  	v0 =	vld [tilespmem:s6+$0x70];
	p0 =	slt.u32 s0, $0x5F8  }
0x34: {  	v1 =	vld [tilespmem:s6+$0x0]  }
0x35: {  	v2 =	vld [tilespmem:s6+$0x10]  }
0x36: {  	v3 =	vld [tilespmem:s6+$0x20]  }
0x37: {  	v4 =	vld [tilespmem:s6+$0x30]  }
0x38: {  	[tilespmem:s6+$0x6070] =	vst.add.f32.msk $0xffff, v0  }
0x39: {  	v5 =	vld [tilespmem:s6+$0x40]  }
0x3a: {  	v6 =	vld [tilespmem:s6+$0x50]  }
0x3b: {  	v0 =	vld [tilespmem:s6+$0x60]  }
0x3c: {  	[tilespmem:s6+$0x6000] =	vst.add.f32.msk $0xffff, v1  }
.Ltmp2:
0x3d: {  	[tilespmem:s6+$0x6010] =	vst.add.f32.msk $0xffff, v2;
	(pc) =	sbr.rel @p0 .LBB2_3-.Ltmp2, $4  }
0x3e: {  	[tilespmem:s6+$0x6020] =	vst.add.f32.msk $0xffff, v3  }
0x3f: {  	[tilespmem:s6+$0x6030] =	vst.add.f32.msk $0xffff, v4  }
0x40: {  	[tilespmem:s6+$0x6040] =	vst.add.f32.msk $0xffff, v5  }
0x41: {  	s7 =	sadd.s32 $0x200, s7;
	[tilespmem:s6+$0x6050] =	vst.add.f32.msk $0xffff, v6  }
0x42: {  	s0 =	smul.u32 $0x300000, s1;
	_ =	sdelay $0x1  }
0x43: {  	s7 =	sor.u32 s4, s0  }
0x44: {  	p0 =	seq.s32 s1, $0x0;
	s7 =	sshrl.u32 s7, $0x3  }
0x45: {  	[tilespmem:s6+$0x6060] =	vst.add.f32.msk $0xffff, v0;
	s6 =	simm.s32 @!p0 $0x7;
	s7 =	sadd.s32 s5, s7  }
0x46: {  	[hbm4b:s7+s3] =	stream.linear.scatter [tilespmem:s18], [sflag:$0x5], $0x6000, $0x38;
	[tilespmem:$0x1E000] =	vst v63  }
0x47: {  	s8 =	sadd.s32 s0, s10;
	_ =	swait.ge @!p0 [sflag:s6], $0x6000  }
0x48: {  	s7 =	sshrl.u32 s8, $0x3;
	[sflag:s6] =	ssyncset.done @!p0 $0x0  }
0x49: {  	s8 =	simm.s32 $0x0;
	s7 =	sadd.s32 s2, s7;
	[sflag:s6] =	ssyncadd.s32 @!p0 $0xFFFFA000  }
0x4a: {  	[tilespmem:s21], [sflag:$0x3] =	stream.linear.gather [hbm4b:s7+s8], $0x6000, $0x38;
	[tilespmem:$0x1E000] =	vst v63  }
0x4b: {  	_ =	swait.ge [sflag:s22], $0x6000  }
0x4c: {  	[sflag:s22] =	ssyncset.done $0x0  }
0x4d: {  	s6 =	simm.s32 $0x0;
	[sflag:s22] =	ssyncadd.s32 $0xFFFFA000  }
0x4e: {  	v0 =	vld [tilespmem:s6+$0x70]  }
0x4f: {  	v1 =	vld [tilespmem:s6+$0x0]  }
0x50: {  	v2 =	vld [tilespmem:s6+$0x10]  }
0x51: {  	v3 =	vld [tilespmem:s6+$0x20]  }
0x52: {  	v4 =	vld [tilespmem:s6+$0x30]  }
0x53: {  	v5 =	vld [tilespmem:s6+$0x40]  }
0x54: {  	v6 =	vld [tilespmem:s6+$0x50]  }
0x55: {  	[tilespmem:s6+$0xC070] =	vst.add.f32.msk $0xffff, v0  }
0x56: {  	v0 =	vld [tilespmem:s6+$0x60]  }
0x57: {  	[tilespmem:s6+$0xC000] =	vst.add.f32.msk $0xffff, v1  }
0x58: {  	[tilespmem:s6+$0xC010] =	vst.add.f32.msk $0xffff, v2  }
0x59: {  	[tilespmem:s6+$0xC020] =	vst.add.f32.msk $0xffff, v3  }
0x5a: {  	[tilespmem:s6+$0xC030] =	vst.add.f32.msk $0xffff, v4  }
0x5b: {  	[tilespmem:s6+$0xC040] =	vst.add.f32.msk $0xffff, v5  }
0x5c: {  	s7 =	simm.s32 $0x0;
	s8 =	simm.s32 $0x200;
	[tilespmem:s6+$0xC050] =	vst.add.f32.msk $0xffff, v6  }
.LBB2_5:
0x5d: {  	s7 =	sadd.s32 $0x8, s7;
	[tilespmem:s6+$0xC060] =	vst.add.f32.msk $0xffff, v0;
	s6 =	sshra.s32 s8, $0x2  }
0x5e: {  	v0 =	vld [tilespmem:s6+$0x70];
	p1 =	slt.u32 s7, $0x5F8  }
0x5f: {  	v1 =	vld [tilespmem:s6+$0x0]  }
0x60: {  	v2 =	vld [tilespmem:s6+$0x10]  }
0x61: {  	v3 =	vld [tilespmem:s6+$0x20]  }
0x62: {  	v4 =	vld [tilespmem:s6+$0x30]  }
0x63: {  	[tilespmem:s6+$0xC070] =	vst.add.f32.msk $0xffff, v0  }
0x64: {  	v5 =	vld [tilespmem:s6+$0x40]  }
0x65: {  	v6 =	vld [tilespmem:s6+$0x50]  }
0x66: {  	v0 =	vld [tilespmem:s6+$0x60]  }
0x67: {  	[tilespmem:s6+$0xC000] =	vst.add.f32.msk $0xffff, v1  }
.Ltmp3:
0x68: {  	[tilespmem:s6+$0xC010] =	vst.add.f32.msk $0xffff, v2;
	(pc) =	sbr.rel @p1 .LBB2_5-.Ltmp3, $4  }
0x69: {  	[tilespmem:s6+$0xC020] =	vst.add.f32.msk $0xffff, v3  }
0x6a: {  	[tilespmem:s6+$0xC030] =	vst.add.f32.msk $0xffff, v4  }
0x6b: {  	[tilespmem:s6+$0xC040] =	vst.add.f32.msk $0xffff, v5  }
0x6c: {  	s8 =	sadd.s32 $0x200, s8;
	[tilespmem:s6+$0xC050] =	vst.add.f32.msk $0xffff, v6  }
0x6d: {  	s7 =	sadd.s32 s0, s11  }
0x6e: {  	s7 =	sshrl.u32 s7, $0x3  }
0x6f: {  	[tilespmem:s6+$0xC060] =	vst.add.f32.msk $0xffff, v0;
	s6 =	simm.s32 @!p0 $0x8;
	s7 =	sadd.s32 s5, s7  }
0x70: {  	[hbm4b:s7+s3] =	stream.linear.scatter [tilespmem:s19], [sflag:$0x6], $0x6000, $0x38;
	[tilespmem:$0x1E000] =	vst v63  }
0x71: {  	s8 =	sadd.s32 s0, s12;
	_ =	swait.ge @!p0 [sflag:s6], $0x6000  }
0x72: {  	s7 =	sshrl.u32 s8, $0x3;
	[sflag:s6] =	ssyncset.done @!p0 $0x0  }
0x73: {  	s8 =	simm.s32 $0x0;
	s7 =	sadd.s32 s2, s7;
	[sflag:s6] =	ssyncadd.s32 @!p0 $0xFFFFA000  }
0x74: {  	[tilespmem:s23], [sflag:$0x4] =	stream.linear.gather [hbm4b:s7+s8], $0x6000, $0x38;
	[tilespmem:$0x1E000] =	vst v63  }
0x75: {  	_ =	swait.ge [sflag:s24], $0x6000  }
0x76: {  	[sflag:s24] =	ssyncset.done $0x0  }
0x77: {  	s6 =	simm.s32 $0x0;
	[sflag:s24] =	ssyncadd.s32 $0xFFFFA000  }
0x78: {  	v0 =	vld [tilespmem:s6+$0x70]  }
0x79: {  	v1 =	vld [tilespmem:s6+$0x0]  }
0x7a: {  	v2 =	vld [tilespmem:s6+$0x10]  }
0x7b: {  	v3 =	vld [tilespmem:s6+$0x20]  }
0x7c: {  	v4 =	vld [tilespmem:s6+$0x30]  }
0x7d: {  	v5 =	vld [tilespmem:s6+$0x40]  }
0x7e: {  	v6 =	vld [tilespmem:s6+$0x50]  }
0x7f: {  	[tilespmem:s6+$0x12070] =	vst.add.f32.msk $0xffff, v0  }
0x80: {  	v0 =	vld [tilespmem:s6+$0x60]  }
0x81: {  	[tilespmem:s6+$0x12000] =	vst.add.f32.msk $0xffff, v1  }
0x82: {  	[tilespmem:s6+$0x12010] =	vst.add.f32.msk $0xffff, v2  }
0x83: {  	[tilespmem:s6+$0x12020] =	vst.add.f32.msk $0xffff, v3  }
0x84: {  	[tilespmem:s6+$0x12030] =	vst.add.f32.msk $0xffff, v4  }
0x85: {  	[tilespmem:s6+$0x12040] =	vst.add.f32.msk $0xffff, v5  }
0x86: {  	s7 =	simm.s32 $0x0;
	s8 =	simm.s32 $0x200;
	[tilespmem:s6+$0x12050] =	vst.add.f32.msk $0xffff, v6  }
.LBB2_7:
0x87: {  	s7 =	sadd.s32 $0x8, s7;
	[tilespmem:s6+$0x12060] =	vst.add.f32.msk $0xffff, v0;
	s6 =	sshra.s32 s8, $0x2  }
0x88: {  	v0 =	vld [tilespmem:s6+$0x70];
	p0 =	slt.u32 s7, $0x5F8  }
0x89: {  	v1 =	vld [tilespmem:s6+$0x0]  }
0x8a: {  	v2 =	vld [tilespmem:s6+$0x10]  }
0x8b: {  	v3 =	vld [tilespmem:s6+$0x20]  }
0x8c: {  	v4 =	vld [tilespmem:s6+$0x30]  }
0x8d: {  	[tilespmem:s6+$0x12070] =	vst.add.f32.msk $0xffff, v0  }
0x8e: {  	v5 =	vld [tilespmem:s6+$0x40]  }
0x8f: {  	v6 =	vld [tilespmem:s6+$0x50]  }
0x90: {  	v0 =	vld [tilespmem:s6+$0x60]  }
0x91: {  	[tilespmem:s6+$0x12000] =	vst.add.f32.msk $0xffff, v1  }
.Ltmp4:
0x92: {  	[tilespmem:s6+$0x12010] =	vst.add.f32.msk $0xffff, v2;
	(pc) =	sbr.rel @p0 .LBB2_7-.Ltmp4, $4  }
0x93: {  	[tilespmem:s6+$0x12020] =	vst.add.f32.msk $0xffff, v3  }
0x94: {  	[tilespmem:s6+$0x12030] =	vst.add.f32.msk $0xffff, v4  }
0x95: {  	[tilespmem:s6+$0x12040] =	vst.add.f32.msk $0xffff, v5  }
0x96: {  	s8 =	sadd.s32 $0x200, s8;
	[tilespmem:s6+$0x12050] =	vst.add.f32.msk $0xffff, v6  }
0x97: {  	s7 =	sadd.s32 s0, s13  }
0x98: {  	s7 =	sshrl.u32 s7, $0x3  }
0x99: {  	[tilespmem:s6+$0x12060] =	vst.add.f32.msk $0xffff, v0;
	p0 =	seq.s32 s1, $0x2;
	s8 =	sadd.s32 s5, s7  }
0x9a: {  	[hbm4b:s8+s3] =	stream.linear.scatter [tilespmem:s21], [sflag:$0x7], $0x6000, $0x38;
	[tilespmem:$0x1E000] =	vst v63  }
0x9b: {  	s6 =	sadd.s32 @!p0 s9, s0;
	_ =	swait.ge [sflag:s25], $0x6000  }
0x9c: {  	s6 =	sshrl.u32 @!p0 s6, $0x3;
	s7 =	simm.s32 @!p0 $0x0;
	[sflag:s25] =	ssyncset.done $0x0  }
0x9d: {  	s6 =	sadd.s32 @!p0 s2, s6;
	s8 =	simm.s32 @!p0 $0x6000;
	[sflag:s25] =	ssyncadd.s32 $0xFFFFA000  }
0x9e: {  	[tilespmem:s8], [sflag:$0x1] =	stream.linear.gather @!p0 [hbm4b:s6+s7], $0x6000, $0x38;
	[tilespmem:$0x1E000] =	vst v63  }
0x9f: {  	_ =	swait.ge [sflag:s26], $0x6000  }
0xa0: {  	[sflag:s26] =	ssyncset.done $0x0  }
0xa1: {  	s6 =	simm.s32 $0x0;
	[sflag:s26] =	ssyncadd.s32 $0xFFFFA000  }
0xa2: {  	v0 =	vld [tilespmem:s6+$0x70]  }
0xa3: {  	v1 =	vld [tilespmem:s6+$0x0]  }
0xa4: {  	v2 =	vld [tilespmem:s6+$0x10]  }
0xa5: {  	v3 =	vld [tilespmem:s6+$0x20]  }
0xa6: {  	v4 =	vld [tilespmem:s6+$0x30]  }
0xa7: {  	v5 =	vld [tilespmem:s6+$0x40]  }
0xa8: {  	v6 =	vld [tilespmem:s6+$0x50]  }
0xa9: {  	[tilespmem:s6+$0x18070] =	vst.add.f32.msk $0xffff, v0  }
0xaa: {  	v0 =	vld [tilespmem:s6+$0x60]  }
0xab: {  	[tilespmem:s6+$0x18000] =	vst.add.f32.msk $0xffff, v1  }
0xac: {  	[tilespmem:s6+$0x18010] =	vst.add.f32.msk $0xffff, v2  }
0xad: {  	[tilespmem:s6+$0x18020] =	vst.add.f32.msk $0xffff, v3  }
0xae: {  	[tilespmem:s6+$0x18030] =	vst.add.f32.msk $0xffff, v4  }
0xaf: {  	[tilespmem:s6+$0x18040] =	vst.add.f32.msk $0xffff, v5  }
0xb0: {  	s7 =	simm.s32 $0x0;
	s8 =	simm.s32 $0x200;
	[tilespmem:s6+$0x18050] =	vst.add.f32.msk $0xffff, v6  }
.LBB2_9:
0xb1: {  	s7 =	sadd.s32 $0x8, s7;
	[tilespmem:s6+$0x18060] =	vst.add.f32.msk $0xffff, v0;
	s6 =	sshra.s32 s8, $0x2  }
0xb2: {  	v0 =	vld [tilespmem:s6+$0x70];
	p1 =	slt.u32 s7, $0x5F8  }
0xb3: {  	v1 =	vld [tilespmem:s6+$0x0]  }
0xb4: {  	v2 =	vld [tilespmem:s6+$0x10]  }
0xb5: {  	v3 =	vld [tilespmem:s6+$0x20]  }
0xb6: {  	v4 =	vld [tilespmem:s6+$0x30]  }
0xb7: {  	[tilespmem:s6+$0x18070] =	vst.add.f32.msk $0xffff, v0  }
0xb8: {  	v5 =	vld [tilespmem:s6+$0x40]  }
0xb9: {  	v6 =	vld [tilespmem:s6+$0x50]  }
0xba: {  	v0 =	vld [tilespmem:s6+$0x60]  }
0xbb: {  	[tilespmem:s6+$0x18000] =	vst.add.f32.msk $0xffff, v1  }
.Ltmp5:
0xbc: {  	[tilespmem:s6+$0x18010] =	vst.add.f32.msk $0xffff, v2;
	(pc) =	sbr.rel @p1 .LBB2_9-.Ltmp5, $4  }
0xbd: {  	[tilespmem:s6+$0x18020] =	vst.add.f32.msk $0xffff, v3  }
0xbe: {  	[tilespmem:s6+$0x18030] =	vst.add.f32.msk $0xffff, v4  }
0xbf: {  	[tilespmem:s6+$0x18040] =	vst.add.f32.msk $0xffff, v5  }
0xc0: {  	s8 =	sadd.s32 $0x200, s8;
	[tilespmem:s6+$0x18050] =	vst.add.f32.msk $0xffff, v6  }
0xc1: {  	s7 =	sadd.s32 s0, s14  }
0xc2: {  	s7 =	sshrl.u32 s7, $0x3  }
.Ltmp6:
0xc3: {  	[tilespmem:s6+$0x18060] =	vst.add.f32.msk $0xffff, v0;
	s8 =	sadd.s32 s5, s7;
	(pc) =	sbr.rel @p0 .LBB2_12-.Ltmp6, $4  }
0xc4: {  	[hbm4b:s8+s3] =	stream.linear.scatter [tilespmem:s23], [sflag:$0x8], $0x6000, $0x38;
	[tilespmem:$0x1E000] =	vst v63  }
0xc5: {  	_ =	swait.ge [sflag:s28], $0x6000  }
0xc6: {  	[sflag:s28] =	ssyncset.done $0x0  }
0xc7: {  	[sflag:s28] =	ssyncadd.s32 $0xFFFFA000  }
.Ltmp7:
0xc8: {  	(pc) =	sbr.rel .LBB2_2-.Ltmp7, $4  }
0xc9: {  	s0 =	sadd.s32 s0, s15  }
0xca: {  	s0 =	sshrl.u32 s0, $0x3  }
0xcb: {  	s1 =	sadd.s32 $0x1, s1;
	s0 =	sadd.s32 s2, s0  }
0xcc: {  	[tilespmem:s19], [sflag:$0x2] =	stream.linear.gather [hbm4b:s0+s3], $0x6000, $0x38;
	[tilespmem:$0x1E000] =	vst v63  }
.LBB2_13:
0xcd: {  	_ =	sfence.sel $0x180000  }
0xce: {  	[bflag:$0x0] =	sbarrier.arrive $0xFFFF  }
0xcf: {  	_ =	strace $0x90000047  }
0xd0: {  	s0 =	stileid.u32;
	[bflag:$0x2] =	sbarrier.arrive $0xFFFF  }
0xd1: {  	p0 =	sne.s32 s0, $0x0;
	s0 =	rddreg [dreg:$0x2]  }
0xd2: {  	s0 =	sadd.s32 @!p0 $0x100000, s0  }
0xd3: {  	[sflag:s0] =	ssyncadd.tile.s32 @!p0 $0x1;
	_ =	shalt  }
.Lfunc_end2:
_tile_overlayer_lowered:
.L_overlay_start_2:
0xd4: {  	(tag) =	ssettag $0x2  }
0xd5: {  	s0 =	rddreg [dreg:$0x0];
	s2 =	stileid.u32  }
0xd6: {  	s1 =	rddreg [dreg:$0x1];
	p0 =	sne.s32 s2, $0x0  }
0xd7: {  	s3 =	rddreg [dreg:$0x2];
	[bflag:$0x3] =	sbarrier.arrive $0xFFFF;
	s2 =	simm.s32 @!p0 $0x1C09  }
0xd8: {  	[timem:s3], [sflag:s2] =	dma.local @!p0 [hbm:s0], s1  }
0xd9: {  	s0 =	simm.s32 @!p0 $0x9  }
0xda: {  	_ =	swait.ge @!p0 [sflag:s0], s1  }
0xdb: {  	s1 =	ssub.s32 @!p0 $0x0, s1;
	[sflag:s0] =	ssyncset.done @!p0 $0x0  }
0xdc: {  	[sflag:s0] =	ssyncadd.s32 @!p0 s1  }
0xdd: {  	[bflag:$0x3] =	sbarrier.arrive $0xFFFF  }
0xde: {  	_ =	shalt  }

</sc_bundles>
